<compile_context>
chip_gen: v7x
topology: tpu7x:2x2x1
jax: 0.10.2.dev20260603
libtpu: 0.0.44.dev20260713+nightly
codegen_flags: <defaults>
</compile_context>

<pallas_src>
import jax
import jax.numpy as jnp
from jax import lax
from jax.experimental import pallas as pl
from jax.experimental.pallas import tpu as pltpu
from jax.experimental.pallas import tpu_sc as plsc

B, S, HIDDEN = 4, 4096, 2048
N = B * S
NC, NS = 2, 16
NW = NC * NS
TOK_PER_W = N // NW
K = 8
N_CHUNKS = TOK_PER_W // K
NBUF = 2
LANES = 16


def _sc_body(in_hbm, idx_hbm, tab_hbm, out_hbm, idx_v,
             in0, in1, pos0, pos1, res0, res1,
             sem_in0, sem_in1, sem_gat0, sem_gat1, sem_out0, sem_out1):
    in_b = (in0, in1)
    pos_b = (pos0, pos1)
    res_b = (res0, res1)
    sem_in = (sem_in0, sem_in1)
    sem_gat = (sem_gat0, sem_gat1)
    sem_out = (sem_out0, sem_out1)

    wid = lax.axis_index("s") * NC + lax.axis_index("c")
    base = wid * TOK_PER_W
    pltpu.sync_copy(idx_hbm.at[pl.ds(base, TOK_PER_W)], idx_v)

    def fetch_start(ci, b):
        pltpu.async_copy(in_hbm.at[pl.ds(base + ci * K, K)], in_b[b],
                         sem_in[b])
        pltpu.async_copy(tab_hbm.at[idx_v.at[pl.ds(ci * K, K)]], pos_b[b],
                         sem_gat[b])

    def fetch_wait(b):
        pltpu.make_async_copy(in_hbm.at[pl.ds(0, K)], in_b[b],
                              sem_in[b]).wait()
        pltpu.make_async_copy(tab_hbm.at[idx_v.at[pl.ds(0, K)]], pos_b[b],
                              sem_gat[b]).wait()

    def out_start(ci, b):
        pltpu.async_copy(res_b[b], out_hbm.at[pl.ds(base + ci * K, K)],
                         sem_out[b])

    def out_wait(b):
        pltpu.make_async_copy(res_b[b], out_hbm.at[pl.ds(0, K)],
                              sem_out[b]).wait()

    fetch_start(0, 0)
    fetch_start(1, 1)

    @pl.loop(0, N_CHUNKS, step=NBUF)
    def _chunk(c):
        for b in range(NBUF):
            ci = c + b
            fetch_wait(b)

            @pl.when(ci >= 2)
            def _res_free():
                out_wait(b)

            @pl.loop(0, K)
            def _row(r):
                @plsc.parallel_loop(0, HIDDEN // LANES, unroll=8)
                def _vec(j):
                    sl = pl.ds(j * LANES, LANES)
                    res_b[b][r, sl] = in_b[b][r, sl] + pos_b[b][r, sl]

            out_start(ci, b)

            @pl.when(ci + 2 < N_CHUNKS)
            def _prefetch():
                fetch_start(ci + 2, b)

    out_wait(0)
    out_wait(1)


def _sc_call(in_flat, idx_flat, pos_table):
    mesh = plsc.VectorSubcoreMesh(core_axis_name="c", subcore_axis_name="s",
                                  num_cores=NC, num_subcores=NS)
    return pl.kernel(
        _sc_body,
        out_type=jax.ShapeDtypeStruct((N, HIDDEN), jnp.float32),
        mesh=mesh,
        scratch_types=[
            pltpu.VMEM((TOK_PER_W,), jnp.int32),
        ] + [pltpu.VMEM((K, HIDDEN), jnp.float32)] * 6
          + [pltpu.SemaphoreType.DMA] * 6,
    )(in_flat, idx_flat, pos_table)


def kernel(input_ids, position_ids, pos_table):
    in_flat = input_ids.reshape(N, HIDDEN)
    idx_flat = position_ids.reshape(N).astype(jnp.int32)
    out = _sc_call(in_flat, idx_flat, pos_table)
    return out.reshape(B, S, HIDDEN)

# --- scband reference (transcript-rebuilt; emitter-appended) ---
"""Pipeline reference for scband-learned-positional-encoding-32263794327894 (READ-ONLY COPY).

The authoritative reference and input builder live on the scoring server;
editing this copy changes nothing except your own understanding.
"""

import jax, jax.numpy as jnp
import numpy as np

MAX_POS = 8192
HIDDEN = 2048
B, S = 4, 4096

def setup_inputs(seed: int = 0) -> dict:
    key = jax.random.key(seed)
    k1, k2, k3 = jax.random.split(key, 3)
    input_ids = jax.random.normal(k1, (B, S, HIDDEN), dtype=jnp.float32)
    position_ids = jax.random.randint(k2, (B, S), 0, MAX_POS, dtype=jnp.int64)
    pos_table = jax.random.normal(k3, (MAX_POS, HIDDEN), dtype=jnp.float32) * 0.1
    return {"input_ids": input_ids, "position_ids": position_ids, "pos_table": pos_table}

def reference(input_ids, position_ids, pos_table):
    # gather learned position embeddings and add (dropout=0.0 -> identity)
    position_embeddings = jnp.take(pos_table, position_ids, axis=0)
    embeddings_with_pos = input_ids + position_embeddings
    return embeddings_with_pos

if __name__ == "__main__":
    import jax
    _d = setup_inputs()
    print(jax.jit(kernel)(*tuple(_d.values())))

</pallas_src>

<mosaic_0001>
#map = affine_map<(d0, d1) -> (0, 0)>
#map1 = affine_map<(d0, d1) -> (0)>
module attributes {stable_mosaic.version = 14 : i64} {
  func.func @_sc_body(%arg0: i32, %arg1: i32, %arg2: memref<16384x2048xf32, #tpu.memory_space<hbm>>, %arg3: memref<16384xi32, #tpu.memory_space<hbm>>, %arg4: memref<8192x2048xf32, #tpu.memory_space<hbm>>, %arg5: memref<16384x2048xf32, #tpu.memory_space<hbm>>, %arg6: memref<512xi32, #tpu.memory_space<vmem>>, %arg7: memref<8x2048xf32, #tpu.memory_space<vmem>>, %arg8: memref<8x2048xf32, #tpu.memory_space<vmem>>, %arg9: memref<8x2048xf32, #tpu.memory_space<vmem>>, %arg10: memref<8x2048xf32, #tpu.memory_space<vmem>>, %arg11: memref<8x2048xf32, #tpu.memory_space<vmem>>, %arg12: memref<8x2048xf32, #tpu.memory_space<vmem>>, %arg13: memref<!tpu.dma_semaphore, #tpu.memory_space<semaphore_mem>>, %arg14: memref<!tpu.dma_semaphore, #tpu.memory_space<semaphore_mem>>, %arg15: memref<!tpu.dma_semaphore, #tpu.memory_space<semaphore_mem>>, %arg16: memref<!tpu.dma_semaphore, #tpu.memory_space<semaphore_mem>>, %arg17: memref<!tpu.dma_semaphore, #tpu.memory_space<semaphore_mem>>, %arg18: memref<!tpu.dma_semaphore, #tpu.memory_space<semaphore_mem>>) attributes {dimension_semantics = [#tpu.dimension_semantics<core_parallel>, #tpu.dimension_semantics<subcore_parallel>], iteration_bounds = array<i64: 2, 16>, scalar_prefetch = 0 : i64, scratch_operands = 13 : i64, tpu.core_type = #tpu.core_type<sc_vector_subcore>, window_params = [{transform_indices = #map}, {transform_indices = #map1}, {transform_indices = #map}, {transform_indices = #map}]} {
    %mul3A = arith.constant 2 : i32
    %mul3A_0 = arith.muli %arg1, %mul3A : i32
    %add3A = arith.addi %mul3A_0, %arg0 : i32
    %mul3A_1 = arith.constant 512 : i32
    %mul3A_2 = arith.muli %add3A, %mul3A_1 : i32
    "tpu.region"() ({
      %run_scoped3A = tpu.sem_alloc : memref<!tpu.dma_semaphore, #tpu.memory_space<semaphore_mem>>
      %dma_start3A_39 = tpu.memref_slice %arg3[%mul3A_2] : memref<16384xi32, #tpu.memory_space<hbm>> -> memref<512xi32, #tpu.memory_space<hbm>>
      %dma_start3A_40 = tpu.memref_slice %arg3[%mul3A_2] : memref<16384xi32, #tpu.memory_space<hbm>> -> memref<512xi32, #tpu.memory_space<hbm>>
      tpu.enqueue_dma source(%dma_start3A_40 : memref<512xi32, #tpu.memory_space<hbm>>) target(%arg6 : memref<512xi32, #tpu.memory_space<vmem>>) target_semaphore(%run_scoped3A : memref<!tpu.dma_semaphore, #tpu.memory_space<semaphore_mem>>)
      %dma_wait3A_41 = tpu.memref_slice %arg3[%mul3A_2] : memref<16384xi32, #tpu.memory_space<hbm>> -> memref<512xi32, #tpu.memory_space<hbm>>
      %dma_wait3A_42 = tpu.memref_slice %arg3[%mul3A_2] : memref<16384xi32, #tpu.memory_space<hbm>> -> memref<512xi32, #tpu.memory_space<hbm>>
      tpu.wait_dma2 semaphore(%run_scoped3A : memref<!tpu.dma_semaphore, #tpu.memory_space<semaphore_mem>>) src(%dma_wait3A_42 : memref<512xi32, #tpu.memory_space<hbm>>) dst(%arg6 : memref<512xi32, #tpu.memory_space<vmem>>)
      tpu.yield
    }) : () -> ()
    %add3A_3 = arith.constant 0 : i32
    %add3A_4 = arith.addi %mul3A_2, %add3A_3 : i32
    %dma_start3A = arith.constant 0 : i32
    %dma_start3A_5 = tpu.memref_slice %arg2[%add3A_4, %dma_start3A] : memref<16384x2048xf32, #tpu.memory_space<hbm>> -> memref<8x2048xf32, #tpu.memory_space<hbm>>
    %dma_start3A_6 = arith.constant 0 : i32
    %dma_start3A_7 = tpu.memref_slice %arg2[%add3A_4, %dma_start3A_6] : memref<16384x2048xf32, #tpu.memory_space<hbm>> -> memref<8x2048xf32, #tpu.memory_space<hbm>>
    tpu.enqueue_dma source(%dma_start3A_7 : memref<8x2048xf32, #tpu.memory_space<hbm>>) target(%arg7 : memref<8x2048xf32, #tpu.memory_space<vmem>>) target_semaphore(%arg13 : memref<!tpu.dma_semaphore, #tpu.memory_space<semaphore_mem>>)
    %dma_start3A_8 = arith.constant 0 : i32
    %dma_start3A_9 = tpu.memref_slice %arg6[%dma_start3A_8] : memref<512xi32, #tpu.memory_space<vmem>> -> memref<8xi32, #tpu.memory_space<vmem>>
    %dma_start3A_10 = arith.constant 0 : i32
    %dma_start3A_11 = arith.constant 0 : i32
    %dma_start3A_12 = tpu.memref_slice %arg4[%dma_start3A_10, %dma_start3A_11] : memref<8192x2048xf32, #tpu.memory_space<hbm>> -> memref<8192x2048xf32, #tpu.memory_space<hbm>>
    tpu.enqueue_indirect_dma source(%dma_start3A_12 : memref<8192x2048xf32, #tpu.memory_space<hbm>>) target(%arg9 : memref<8x2048xf32, #tpu.memory_space<vmem>>) offsets(%dma_start3A_9 : memref<8xi32, #tpu.memory_space<vmem>>) semaphore(%arg15 : memref<!tpu.dma_semaphore, #tpu.memory_space<semaphore_mem>>)
    %add3A_13 = arith.constant 8 : i32
    %add3A_14 = arith.addi %mul3A_2, %add3A_13 : i32
    %dma_start3A_15 = arith.constant 0 : i32
    %dma_start3A_16 = tpu.memref_slice %arg2[%add3A_14, %dma_start3A_15] : memref<16384x2048xf32, #tpu.memory_space<hbm>> -> memref<8x2048xf32, #tpu.memory_space<hbm>>
    %dma_start3A_17 = arith.constant 0 : i32
    %dma_start3A_18 = tpu.memref_slice %arg2[%add3A_14, %dma_start3A_17] : memref<16384x2048xf32, #tpu.memory_space<hbm>> -> memref<8x2048xf32, #tpu.memory_space<hbm>>
    tpu.enqueue_dma source(%dma_start3A_18 : memref<8x2048xf32, #tpu.memory_space<hbm>>) target(%arg8 : memref<8x2048xf32, #tpu.memory_space<vmem>>) target_semaphore(%arg14 : memref<!tpu.dma_semaphore, #tpu.memory_space<semaphore_mem>>)
    %dma_start3A_19 = arith.constant 8 : i32
    %dma_start3A_20 = tpu.memref_slice %arg6[%dma_start3A_19] : memref<512xi32, #tpu.memory_space<vmem>> -> memref<8xi32, #tpu.memory_space<vmem>>
    %dma_start3A_21 = arith.constant 0 : i32
    %dma_start3A_22 = arith.constant 0 : i32
    %dma_start3A_23 = tpu.memref_slice %arg4[%dma_start3A_21, %dma_start3A_22] : memref<8192x2048xf32, #tpu.memory_space<hbm>> -> memref<8192x2048xf32, #tpu.memory_space<hbm>>
    tpu.enqueue_indirect_dma source(%dma_start3A_23 : memref<8192x2048xf32, #tpu.memory_space<hbm>>) target(%arg10 : memref<8x2048xf32, #tpu.memory_space<vmem>>) offsets(%dma_start3A_20 : memref<8xi32, #tpu.memory_space<vmem>>) semaphore(%arg16 : memref<!tpu.dma_semaphore, #tpu.memory_space<semaphore_mem>>)
    %scan3A = arith.constant 0 : i32
    %scan3A_24 = arith.constant 32 : i32
    %scan3A_25 = arith.addi %scan3A, %scan3A_24 : i32
    %scan3A_26 = arith.constant 1 : i32
    scf.for %scan3A_39 = %scan3A to %scan3A_25 step %scan3A_26  : i32 {
      %mul3A_40 = arith.constant 2 : i32
      %mul3A_41 = arith.muli %scan3A_39, %mul3A_40 : i32
      %add3A_42 = arith.constant 0 : i32
      %add3A_43 = arith.addi %add3A_42, %mul3A_41 : i32
      %add3A_44 = arith.constant 0 : i32
      %add3A_45 = arith.addi %add3A_43, %add3A_44 : i32
      %dma_wait3A_46 = arith.constant 0 : i32
      %dma_wait3A_47 = arith.constant 0 : i32
      %dma_wait3A_48 = tpu.memref_slice %arg2[%dma_wait3A_46, %dma_wait3A_47] : memref<16384x2048xf32, #tpu.memory_space<hbm>> -> memref<8x2048xf32, #tpu.memory_space<hbm>>
      %dma_wait3A_49 = arith.constant 0 : i32
      %dma_wait3A_50 = arith.constant 0 : i32
      %dma_wait3A_51 = tpu.memref_slice %arg2[%dma_wait3A_49, %dma_wait3A_50] : memref<16384x2048xf32, #tpu.memory_space<hbm>> -> memref<8x2048xf32, #tpu.memory_space<hbm>>
      tpu.wait_dma2 semaphore(%arg13 : memref<!tpu.dma_semaphore, #tpu.memory_space<semaphore_mem>>) src(%dma_wait3A_51 : memref<8x2048xf32, #tpu.memory_space<hbm>>) dst(%arg7 : memref<8x2048xf32, #tpu.memory_space<vmem>>)
      %dma_wait3A_52 = arith.constant 0 : i32
      %dma_wait3A_53 = tpu.memref_slice %arg6[%dma_wait3A_52] : memref<512xi32, #tpu.memory_space<vmem>> -> memref<8xi32, #tpu.memory_space<vmem>>
      %dma_wait3A_54 = arith.constant 0 : i32
      %dma_wait3A_55 = arith.constant 0 : i32
      %dma_wait3A_56 = tpu.memref_slice %arg4[%dma_wait3A_54, %dma_wait3A_55] : memref<8192x2048xf32, #tpu.memory_space<hbm>> -> memref<8192x2048xf32, #tpu.memory_space<hbm>>
      tpu.wait_indirect_dma semaphore(%arg15 : memref<!tpu.dma_semaphore, #tpu.memory_space<semaphore_mem>>) src(%dma_wait3A_56 : memref<8192x2048xf32, #tpu.memory_space<hbm>>) dst(%arg9 : memref<8x2048xf32, #tpu.memory_space<vmem>>)
      %ge3A = arith.constant 2 : i32
      %ge3A_57 = arith.cmpi sge, %add3A_45, %ge3A : i32
      %convert_element_type3A = arith.extui %ge3A_57 : i1 to i32
      %cond3A = arith.constant 0 : i32
      %cond3A_58 = arith.cmpi ne, %convert_element_type3A, %cond3A : i32
      scf.if %cond3A_58 {
        %dma_wait3A_114 = arith.constant 0 : i32
        %dma_wait3A_115 = arith.constant 0 : i32
        %dma_wait3A_116 = tpu.memref_slice %arg5[%dma_wait3A_114, %dma_wait3A_115] : memref<16384x2048xf32, #tpu.memory_space<hbm>> -> memref<8x2048xf32, #tpu.memory_space<hbm>>
        %dma_wait3A_117 = arith.constant 0 : i32
        %dma_wait3A_118 = arith.constant 0 : i32
        %dma_wait3A_119 = tpu.memref_slice %arg5[%dma_wait3A_117, %dma_wait3A_118] : memref<16384x2048xf32, #tpu.memory_space<hbm>> -> memref<8x2048xf32, #tpu.memory_space<hbm>>
        tpu.wait_dma2 semaphore(%arg17 : memref<!tpu.dma_semaphore, #tpu.memory_space<semaphore_mem>>) src(%arg11 : memref<8x2048xf32, #tpu.memory_space<vmem>>) dst(%dma_wait3A_119 : memref<8x2048xf32, #tpu.memory_space<hbm>>)
      } else {
      }
      %scan3A_59 = arith.constant 0 : i32
      %scan3A_60 = arith.constant 8 : i32
      %scan3A_61 = arith.addi %scan3A_59, %scan3A_60 : i32
      %scan3A_62 = arith.constant 1 : i32
      scf.for %scan3A_114 = %scan3A_59 to %scan3A_61 step %scan3A_62  : i32 {
        %mul3A_115 = arith.constant 1 : i32
        %mul3A_116 = arith.muli %scan3A_114, %mul3A_115 : i32
        %add3A_117 = arith.constant 0 : i32
        %add3A_118 = arith.addi %add3A_117, %mul3A_116 : i32
        %parallel_loop3A = arith.constant 0 : i32
        %parallel_loop3A_119 = arith.constant 128 : i32
        %parallel_loop3A_120 = arith.constant 1 : i32
        scf.for %parallel_loop3A_121 = %parallel_loop3A to %parallel_loop3A_119 step %parallel_loop3A_120  : i32 {
          %parallel_loop3A_122 = arith.constant 16 : i32
          %parallel_loop3A_123 = arith.muli %parallel_loop3A_121, %parallel_loop3A_122 : i32
          %parallel_loop3A_124 = arith.index_cast %add3A_118 : i32 to index
          %parallel_loop3A_125 = arith.index_cast %parallel_loop3A_123 : i32 to index
          %parallel_loop3A_126 = tpu.vector_load %arg7[%parallel_loop3A_124, %parallel_loop3A_125] {strides = array<i32>} : memref<8x2048xf32, #tpu.memory_space<vmem>>, vector<1x16xf32>,
          %parallel_loop3A_127 = vector.shape_cast %parallel_loop3A_126 : vector<1x16xf32> to vector<16xf32>
          %parallel_loop3A_128 = arith.index_cast %add3A_118 : i32 to index
          %parallel_loop3A_129 = arith.index_cast %parallel_loop3A_123 : i32 to index
          %parallel_loop3A_130 = tpu.vector_load %arg9[%parallel_loop3A_128, %parallel_loop3A_129] {strides = array<i32>} : memref<8x2048xf32, #tpu.memory_space<vmem>>, vector<1x16xf32>,
          %parallel_loop3A_131 = vector.shape_cast %parallel_loop3A_130 : vector<1x16xf32> to vector<16xf32>
          %parallel_loop3A_132 = arith.addf %parallel_loop3A_127, %parallel_loop3A_131 : vector<16xf32>
          %parallel_loop3A_133 = arith.index_cast %add3A_118 : i32 to index
          %parallel_loop3A_134 = arith.index_cast %parallel_loop3A_123 : i32 to index
          %parallel_loop3A_135 = tpu.vector_load %arg11[%parallel_loop3A_133, %parallel_loop3A_134] {strides = array<i32>} : memref<8x2048xf32, #tpu.memory_space<vmem>>, vector<1x16xf32>,
          %parallel_loop3A_136 = vector.shape_cast %parallel_loop3A_135 : vector<1x16xf32> to vector<16xf32>
          %parallel_loop3A_137 = vector.shape_cast %parallel_loop3A_132 : vector<16xf32> to vector<1x16xf32>
          tpu.vector_store %arg11[%parallel_loop3A_133, %parallel_loop3A_134], %parallel_loop3A_137 {strides = array<i32>} : memref<8x2048xf32, #tpu.memory_space<vmem>>, vector<1x16xf32>,
        } {sc.loop_unroll_factor = 8 : i64, sc.parallel_access}
      }
      %scan3A_63 = arith.constant 8 : i32
      %mul3A_64 = arith.constant 8 : i32
      %mul3A_65 = arith.muli %add3A_45, %mul3A_64 : i32
      %add3A_66 = arith.addi %mul3A_2, %mul3A_65 : i32
      %dma_start3A_67 = arith.constant 0 : i32
      %dma_start3A_68 = tpu.memref_slice %arg5[%add3A_66, %dma_start3A_67] : memref<16384x2048xf32, #tpu.memory_space<hbm>> -> memref<8x2048xf32, #tpu.memory_space<hbm>>
      %dma_start3A_69 = arith.constant 0 : i32
      %dma_start3A_70 = tpu.memref_slice %arg5[%add3A_66, %dma_start3A_69] : memref<16384x2048xf32, #tpu.memory_space<hbm>> -> memref<8x2048xf32, #tpu.memory_space<hbm>>
      tpu.enqueue_dma source(%arg11 : memref<8x2048xf32, #tpu.memory_space<vmem>>) target(%dma_start3A_70 : memref<8x2048xf32, #tpu.memory_space<hbm>>) target_semaphore(%arg17 : memref<!tpu.dma_semaphore, #tpu.memory_space<semaphore_mem>>)
      %add3A_71 = arith.constant 2 : i32
      %add3A_72 = arith.addi %add3A_45, %add3A_71 : i32
      %lt3A = arith.constant 64 : i32
      %lt3A_73 = arith.cmpi slt, %add3A_72, %lt3A : i32
      %convert_element_type3A_74 = arith.extui %lt3A_73 : i1 to i32
      %cond3A_75 = arith.constant 0 : i32
      %cond3A_76 = arith.cmpi ne, %convert_element_type3A_74, %cond3A_75 : i32
      scf.if %cond3A_76 {
        %add3A_114 = arith.constant 2 : i32
        %add3A_115 = arith.addi %add3A_45, %add3A_114 : i32
        %mul3A_116 = arith.constant 8 : i32
        %mul3A_117 = arith.muli %add3A_115, %mul3A_116 : i32
        %add3A_118 = arith.addi %mul3A_2, %mul3A_117 : i32
        %dma_start3A_119 = arith.constant 0 : i32
        %dma_start3A_120 = tpu.memref_slice %arg2[%add3A_118, %dma_start3A_119] : memref<16384x2048xf32, #tpu.memory_space<hbm>> -> memref<8x2048xf32, #tpu.memory_space<hbm>>
        %dma_start3A_121 = arith.constant 0 : i32
        %dma_start3A_122 = tpu.memref_slice %arg2[%add3A_118, %dma_start3A_121] : memref<16384x2048xf32, #tpu.memory_space<hbm>> -> memref<8x2048xf32, #tpu.memory_space<hbm>>
        tpu.enqueue_dma source(%dma_start3A_122 : memref<8x2048xf32, #tpu.memory_space<hbm>>) target(%arg7 : memref<8x2048xf32, #tpu.memory_space<vmem>>) target_semaphore(%arg13 : memref<!tpu.dma_semaphore, #tpu.memory_space<semaphore_mem>>)
        %mul3A_123 = arith.constant 8 : i32
        %mul3A_124 = arith.muli %add3A_115, %mul3A_123 : i32
        %dma_start3A_125 = tpu.memref_slice %arg6[%mul3A_124] : memref<512xi32, #tpu.memory_space<vmem>> -> memref<8xi32, #tpu.memory_space<vmem>>
        %dma_start3A_126 = arith.constant 0 : i32
        %dma_start3A_127 = arith.constant 0 : i32
        %dma_start3A_128 = tpu.memref_slice %arg4[%dma_start3A_126, %dma_start3A_127] : memref<8192x2048xf32, #tpu.memory_space<hbm>> -> memref<8192x2048xf32, #tpu.memory_space<hbm>>
        tpu.enqueue_indirect_dma source(%dma_start3A_128 : memref<8192x2048xf32, #tpu.memory_space<hbm>>) target(%arg9 : memref<8x2048xf32, #tpu.memory_space<vmem>>) offsets(%dma_start3A_125 : memref<8xi32, #tpu.memory_space<vmem>>) semaphore(%arg15 : memref<!tpu.dma_semaphore, #tpu.memory_space<semaphore_mem>>)
      } else {
      }
      %add3A_77 = arith.constant 1 : i32
      %add3A_78 = arith.addi %add3A_43, %add3A_77 : i32
      %dma_wait3A_79 = arith.constant 0 : i32
      %dma_wait3A_80 = arith.constant 0 : i32
      %dma_wait3A_81 = tpu.memref_slice %arg2[%dma_wait3A_79, %dma_wait3A_80] : memref<16384x2048xf32, #tpu.memory_space<hbm>> -> memref<8x2048xf32, #tpu.memory_space<hbm>>
      %dma_wait3A_82 = arith.constant 0 : i32
      %dma_wait3A_83 = arith.constant 0 : i32
      %dma_wait3A_84 = tpu.memref_slice %arg2[%dma_wait3A_82, %dma_wait3A_83] : memref<16384x2048xf32, #tpu.memory_space<hbm>> -> memref<8x2048xf32, #tpu.memory_space<hbm>>
      tpu.wait_dma2 semaphore(%arg14 : memref<!tpu.dma_semaphore, #tpu.memory_space<semaphore_mem>>) src(%dma_wait3A_84 : memref<8x2048xf32, #tpu.memory_space<hbm>>) dst(%arg8 : memref<8x2048xf32, #tpu.memory_space<vmem>>)
      %dma_wait3A_85 = arith.constant 0 : i32
      %dma_wait3A_86 = tpu.memref_slice %arg6[%dma_wait3A_85] : memref<512xi32, #tpu.memory_space<vmem>> -> memref<8xi32, #tpu.memory_space<vmem>>
      %dma_wait3A_87 = arith.constant 0 : i32
      %dma_wait3A_88 = arith.constant 0 : i32
      %dma_wait3A_89 = tpu.memref_slice %arg4[%dma_wait3A_87, %dma_wait3A_88] : memref<8192x2048xf32, #tpu.memory_space<hbm>> -> memref<8192x2048xf32, #tpu.memory_space<hbm>>
      tpu.wait_indirect_dma semaphore(%arg16 : memref<!tpu.dma_semaphore, #tpu.memory_space<semaphore_mem>>) src(%dma_wait3A_89 : memref<8192x2048xf32, #tpu.memory_space<hbm>>) dst(%arg10 : memref<8x2048xf32, #tpu.memory_space<vmem>>)
      %ge3A_90 = arith.constant 2 : i32
      %ge3A_91 = arith.cmpi sge, %add3A_78, %ge3A_90 : i32
      %convert_element_type3A_92 = arith.extui %ge3A_91 : i1 to i32
      %cond3A_93 = arith.constant 0 : i32
      %cond3A_94 = arith.cmpi ne, %convert_element_type3A_92, %cond3A_93 : i32
      scf.if %cond3A_94 {
        %dma_wait3A_114 = arith.constant 0 : i32
        %dma_wait3A_115 = arith.constant 0 : i32
        %dma_wait3A_116 = tpu.memref_slice %arg5[%dma_wait3A_114, %dma_wait3A_115] : memref<16384x2048xf32, #tpu.memory_space<hbm>> -> memref<8x2048xf32, #tpu.memory_space<hbm>>
        %dma_wait3A_117 = arith.constant 0 : i32
        %dma_wait3A_118 = arith.constant 0 : i32
        %dma_wait3A_119 = tpu.memref_slice %arg5[%dma_wait3A_117, %dma_wait3A_118] : memref<16384x2048xf32, #tpu.memory_space<hbm>> -> memref<8x2048xf32, #tpu.memory_space<hbm>>
        tpu.wait_dma2 semaphore(%arg18 : memref<!tpu.dma_semaphore, #tpu.memory_space<semaphore_mem>>) src(%arg12 : memref<8x2048xf32, #tpu.memory_space<vmem>>) dst(%dma_wait3A_119 : memref<8x2048xf32, #tpu.memory_space<hbm>>)
      } else {
      }
      %scan3A_95 = arith.constant 0 : i32
      %scan3A_96 = arith.constant 8 : i32
      %scan3A_97 = arith.addi %scan3A_95, %scan3A_96 : i32
      %scan3A_98 = arith.constant 1 : i32
      scf.for %scan3A_114 = %scan3A_95 to %scan3A_97 step %scan3A_98  : i32 {
        %mul3A_115 = arith.constant 1 : i32
        %mul3A_116 = arith.muli %scan3A_114, %mul3A_115 : i32
        %add3A_117 = arith.constant 0 : i32
        %add3A_118 = arith.addi %add3A_117, %mul3A_116 : i32
        %parallel_loop3A = arith.constant 0 : i32
        %parallel_loop3A_119 = arith.constant 128 : i32
        %parallel_loop3A_120 = arith.constant 1 : i32
        scf.for %parallel_loop3A_121 = %parallel_loop3A to %parallel_loop3A_119 step %parallel_loop3A_120  : i32 {
          %parallel_loop3A_122 = arith.constant 16 : i32
          %parallel_loop3A_123 = arith.muli %parallel_loop3A_121, %parallel_loop3A_122 : i32
          %parallel_loop3A_124 = arith.index_cast %add3A_118 : i32 to index
          %parallel_loop3A_125 = arith.index_cast %parallel_loop3A_123 : i32 to index
          %parallel_loop3A_126 = tpu.vector_load %arg8[%parallel_loop3A_124, %parallel_loop3A_125] {strides = array<i32>} : memref<8x2048xf32, #tpu.memory_space<vmem>>, vector<1x16xf32>,
          %parallel_loop3A_127 = vector.shape_cast %parallel_loop3A_126 : vector<1x16xf32> to vector<16xf32>
          %parallel_loop3A_128 = arith.index_cast %add3A_118 : i32 to index
          %parallel_loop3A_129 = arith.index_cast %parallel_loop3A_123 : i32 to index
          %parallel_loop3A_130 = tpu.vector_load %arg10[%parallel_loop3A_128, %parallel_loop3A_129] {strides = array<i32>} : memref<8x2048xf32, #tpu.memory_space<vmem>>, vector<1x16xf32>,
          %parallel_loop3A_131 = vector.shape_cast %parallel_loop3A_130 : vector<1x16xf32> to vector<16xf32>
          %parallel_loop3A_132 = arith.addf %parallel_loop3A_127, %parallel_loop3A_131 : vector<16xf32>
          %parallel_loop3A_133 = arith.index_cast %add3A_118 : i32 to index
          %parallel_loop3A_134 = arith.index_cast %parallel_loop3A_123 : i32 to index
          %parallel_loop3A_135 = tpu.vector_load %arg12[%parallel_loop3A_133, %parallel_loop3A_134] {strides = array<i32>} : memref<8x2048xf32, #tpu.memory_space<vmem>>, vector<1x16xf32>,
          %parallel_loop3A_136 = vector.shape_cast %parallel_loop3A_135 : vector<1x16xf32> to vector<16xf32>
          %parallel_loop3A_137 = vector.shape_cast %parallel_loop3A_132 : vector<16xf32> to vector<1x16xf32>
          tpu.vector_store %arg12[%parallel_loop3A_133, %parallel_loop3A_134], %parallel_loop3A_137 {strides = array<i32>} : memref<8x2048xf32, #tpu.memory_space<vmem>>, vector<1x16xf32>,
        } {sc.loop_unroll_factor = 8 : i64, sc.parallel_access}
      }
      %scan3A_99 = arith.constant 8 : i32
      %mul3A_100 = arith.constant 8 : i32
      %mul3A_101 = arith.muli %add3A_78, %mul3A_100 : i32
      %add3A_102 = arith.addi %mul3A_2, %mul3A_101 : i32
      %dma_start3A_103 = arith.constant 0 : i32
      %dma_start3A_104 = tpu.memref_slice %arg5[%add3A_102, %dma_start3A_103] : memref<16384x2048xf32, #tpu.memory_space<hbm>> -> memref<8x2048xf32, #tpu.memory_space<hbm>>
      %dma_start3A_105 = arith.constant 0 : i32
      %dma_start3A_106 = tpu.memref_slice %arg5[%add3A_102, %dma_start3A_105] : memref<16384x2048xf32, #tpu.memory_space<hbm>> -> memref<8x2048xf32, #tpu.memory_space<hbm>>
      tpu.enqueue_dma source(%arg12 : memref<8x2048xf32, #tpu.memory_space<vmem>>) target(%dma_start3A_106 : memref<8x2048xf32, #tpu.memory_space<hbm>>) target_semaphore(%arg18 : memref<!tpu.dma_semaphore, #tpu.memory_space<semaphore_mem>>)
      %add3A_107 = arith.constant 2 : i32
      %add3A_108 = arith.addi %add3A_78, %add3A_107 : i32
      %lt3A_109 = arith.constant 64 : i32
      %lt3A_110 = arith.cmpi slt, %add3A_108, %lt3A_109 : i32
      %convert_element_type3A_111 = arith.extui %lt3A_110 : i1 to i32
      %cond3A_112 = arith.constant 0 : i32
      %cond3A_113 = arith.cmpi ne, %convert_element_type3A_111, %cond3A_112 : i32
      scf.if %cond3A_113 {
        %add3A_114 = arith.constant 2 : i32
        %add3A_115 = arith.addi %add3A_78, %add3A_114 : i32
        %mul3A_116 = arith.constant 8 : i32
        %mul3A_117 = arith.muli %add3A_115, %mul3A_116 : i32
        %add3A_118 = arith.addi %mul3A_2, %mul3A_117 : i32
        %dma_start3A_119 = arith.constant 0 : i32
        %dma_start3A_120 = tpu.memref_slice %arg2[%add3A_118, %dma_start3A_119] : memref<16384x2048xf32, #tpu.memory_space<hbm>> -> memref<8x2048xf32, #tpu.memory_space<hbm>>
        %dma_start3A_121 = arith.constant 0 : i32
        %dma_start3A_122 = tpu.memref_slice %arg2[%add3A_118, %dma_start3A_121] : memref<16384x2048xf32, #tpu.memory_space<hbm>> -> memref<8x2048xf32, #tpu.memory_space<hbm>>
        tpu.enqueue_dma source(%dma_start3A_122 : memref<8x2048xf32, #tpu.memory_space<hbm>>) target(%arg8 : memref<8x2048xf32, #tpu.memory_space<vmem>>) target_semaphore(%arg14 : memref<!tpu.dma_semaphore, #tpu.memory_space<semaphore_mem>>)
        %mul3A_123 = arith.constant 8 : i32
        %mul3A_124 = arith.muli %add3A_115, %mul3A_123 : i32
        %dma_start3A_125 = tpu.memref_slice %arg6[%mul3A_124] : memref<512xi32, #tpu.memory_space<vmem>> -> memref<8xi32, #tpu.memory_space<vmem>>
        %dma_start3A_126 = arith.constant 0 : i32
        %dma_start3A_127 = arith.constant 0 : i32
        %dma_start3A_128 = tpu.memref_slice %arg4[%dma_start3A_126, %dma_start3A_127] : memref<8192x2048xf32, #tpu.memory_space<hbm>> -> memref<8192x2048xf32, #tpu.memory_space<hbm>>
        tpu.enqueue_indirect_dma source(%dma_start3A_128 : memref<8192x2048xf32, #tpu.memory_space<hbm>>) target(%arg10 : memref<8x2048xf32, #tpu.memory_space<vmem>>) offsets(%dma_start3A_125 : memref<8xi32, #tpu.memory_space<vmem>>) semaphore(%arg16 : memref<!tpu.dma_semaphore, #tpu.memory_space<semaphore_mem>>)
      } else {
      }
    }
    %scan3A_27 = arith.constant 32 : i32
    %dma_wait3A = arith.constant 0 : i32
    %dma_wait3A_28 = arith.constant 0 : i32
    %dma_wait3A_29 = tpu.memref_slice %arg5[%dma_wait3A, %dma_wait3A_28] : memref<16384x2048xf32, #tpu.memory_space<hbm>> -> memref<8x2048xf32, #tpu.memory_space<hbm>>
    %dma_wait3A_30 = arith.constant 0 : i32
    %dma_wait3A_31 = arith.constant 0 : i32
    %dma_wait3A_32 = tpu.memref_slice %arg5[%dma_wait3A_30, %dma_wait3A_31] : memref<16384x2048xf32, #tpu.memory_space<hbm>> -> memref<8x2048xf32, #tpu.memory_space<hbm>>
    tpu.wait_dma2 semaphore(%arg17 : memref<!tpu.dma_semaphore, #tpu.memory_space<semaphore_mem>>) src(%arg11 : memref<8x2048xf32, #tpu.memory_space<vmem>>) dst(%dma_wait3A_32 : memref<8x2048xf32, #tpu.memory_space<hbm>>)
    %dma_wait3A_33 = arith.constant 0 : i32
    %dma_wait3A_34 = arith.constant 0 : i32
    %dma_wait3A_35 = tpu.memref_slice %arg5[%dma_wait3A_33, %dma_wait3A_34] : memref<16384x2048xf32, #tpu.memory_space<hbm>> -> memref<8x2048xf32, #tpu.memory_space<hbm>>
    %dma_wait3A_36 = arith.constant 0 : i32
    %dma_wait3A_37 = arith.constant 0 : i32
    %dma_wait3A_38 = tpu.memref_slice %arg5[%dma_wait3A_36, %dma_wait3A_37] : memref<16384x2048xf32, #tpu.memory_space<hbm>> -> memref<8x2048xf32, #tpu.memory_space<hbm>>
    tpu.wait_dma2 semaphore(%arg18 : memref<!tpu.dma_semaphore, #tpu.memory_space<semaphore_mem>>) src(%arg12 : memref<8x2048xf32, #tpu.memory_space<vmem>>) dst(%dma_wait3A_38 : memref<8x2048xf32, #tpu.memory_space<hbm>>)
    return
  }
}

</mosaic_0001>

<sc_bundles>
// kernel: kernel.3.cloned.1.call-start
scs
__scs_entry_jumppad:
0x0: {  	(pc) =	sbr.rel $0x88, $3  }
0x1: {  	(tag) =	ssettag $0x0;
	lr =	simm.s32 $0x1  }
0x2: {  	[smem:$0x3F9E] =	sst lr;
	_ =	strace $0xD0000000  }
0x3: {  	_ = 	snop  }
0x4: {  	_ = 	snop  }
0x5: {  	_ = 	snop  }
0x6: {  	_ = 	snop  }
0x7: {  	_ = 	snop  }
__scs_overlays_trampoline_lowered:
0x8: {  	[smem:$0x3FAD] =	sst s0  }
0x9: {  	[smem:$0x3FAE] =	sst s1  }
0xa: {  	[smem:$0x3FAF] =	sst s2  }
0xb: {  	[smem:$0x3FB0] =	sst s3  }
0xc: {  	[smem:$0x3FB1] =	sst s4  }
0xd: {  	[smem:$0x3FB2] =	sst s5  }
0xe: {  	[smem:$0x3FB3] =	sst s6  }
0xf: {  	[smem:$0x3FB4] =	sst s7  }
0x10: {  	[smem:$0x3FB5] =	sst s8  }
0x11: {  	[smem:$0x3FB6] =	sst s9;
	s0 =	simm.s32 @!p0 $0x0  }
0x12: {  	s1 =	sld [smem:$0x3F9C];
	s0 =	simm.s32 @p0 $0x1  }
0x13: {  	[smem:$0x3FB7] =	sst s0;
	s0 =	simm.s32 @!p1 $0x0  }
0x14: {  	s2 =	sld [smem:$0x3F9B];
	s0 =	simm.s32 @p1 $0x1  }
0x15: {  	[smem:$0x3FB8] =	sst s0;
	s0 =	simm.s32 @!p2 $0x0  }
0x16: {  	s3 =	sld [smem:$0x3FDB];
	s0 =	simm.s32 @p2 $0x1  }
0x17: {  	s4 =	simm.s32 $0x1BF5;
	[smem:$0x3FBA] =	sst s0  }
0x18: {  	s0 =	sld [smem:$0x3F9D];
	_ =	swait.ge [sflag:s4], $0x0  }
0x19: {  	s7 =	sld [smem:$0x3F9E]  }
0x1a: {  	s8 =	sadd.s32 $0xFFFFE003, lr  }
0x1b: {  	s9 =	sadd.s32 $0xFFFFFEF7, lr;
	s5 =	simm.s32 $0xFFFFFFFF;
	p2 =	slt.u32 s8, $0xFFFFF086  }
0x1c: {  	p1 =	slt.u32 s9, $0xF7A;
	s5 =	simm.s32 @!p2 $0x0  }
0x1d: {  	s5 =	simm.s32 @p1 $0x1;
	p0 =	seq.s32 s7, s2  }
0x1e: {  	s7 =	smul.u32 @!p0 $0xF7A, s2;
	p2 =	seq.s32 @!p0 s5, $0x0  }
0x1f: {  	s9 =	smul.u32 $0xF7A, s1;
	s8 =	simm.s32 @!p0 $0x1BF5;
	p2 =	por !p2, p0  }
0x20: {  	[sflag:s8] =	ssyncset.s32 @!p0 $0xFFFFF086;
	s6 =	sadd.s32 @!p0 s3, s7;
	s7 =	simm.s32 @!p0 $0x108  }
0x21: {  	s3 =	sadd.s32 s3, s9;
	s6 =	sadd.s32 @!p0 $0x88, s6;
	s7 =	simm.s32 @p2 $0x1082  }
0x22: {  	[simem:s7], [sflag:s8] =	dma.local @!p0 [hbm:s6], $0xF7A  }
0x23: {  	s9 =	sor.u32 $0xD0000000, s2;
	s6 =	simm.s32 $0x108;
	_ =	swait.ge @!p0 [sflag:s8], $0x0  }
0x24: {  	s3 =	sadd.s32 $0x88, s3;
	s6 =	simm.s32 @!p1 $0x1082;
	[sflag:s4] =	ssyncset.s32 $0xFFFFF086  }
0x25: {  	[simem:s6], [sflag:s4] =	dma.local [hbm:s3], $0xF7A  }
0x26: {  	[smem:$0x3F9E] =	sst s1;
	(tag) =	ssettag s2;
	_ =	strace s9  }
0x27: {  	s1 =	sld [smem:$0x3FAE]  }
0x28: {  	s2 =	sld [smem:$0x3FAF]  }
0x29: {  	s4 =	sld [smem:$0x3FB1]  }
0x2a: {  	p0 =	seq.s32 s5, $0x0;
	s5 =	sld [smem:$0x3FB2]  }
0x2b: {  	s6 =	sld [smem:$0x3FB3]  }
0x2c: {  	s7 =	sld [smem:$0x3FB4]  }
0x2d: {  	s3 =	simm.s32 $0x108;
	s8 =	sld [smem:$0x3FB5]  }
0x2e: {  	s3 =	simm.s32 @!p0 $0x1082;
	s9 =	sld [smem:$0x3FB6]  }
0x2f: {  	lr =	sadd.s32 s0, s3;
	s0 =	sld [smem:$0x3FAD]  }
0x30: {  	s3 =	sld [smem:$0x3FB0]  }
0x31: {  	[smem:$0x3FB9] =	sst s10  }
0x32: {  	s10 =	sld [smem:$0x3FB7];
	_ =	sdelay $0x3  }
0x33: {  	p0 =	seq.s32 s10, $0x1;
	s10 =	sld [smem:$0x3FB9];
	_ =	sdelay $0x3  }
0x34: {  	[smem:$0x3FB9] =	sst s10  }
0x35: {  	s10 =	sld [smem:$0x3FB8];
	_ =	sdelay $0x3  }
0x36: {  	p1 =	seq.s32 s10, $0x1;
	s10 =	sld [smem:$0x3FB9];
	_ =	sdelay $0x3  }
0x37: {  	[smem:$0x3FB9] =	sst s10  }
0x38: {  	s10 =	sld [smem:$0x3FBA]  }
0x39: {  	_ = 	snop;
	(pc) =	sbr.ind lr, $3  }
0x3a: {  	_ = 	snop  }
0x3b: {  	_ = 	snop  }
0x3c: {  	p2 =	seq.s32 s10, $0x1;
	s10 =	sld [smem:$0x3FB9]  }
0x3d: {  	_ =	shalt  }
0x3e: {  	_ =	shalt  }
0x3f: {  	_ =	shalt  }
0x40: {  	_ =	shalt  }
0x41: {  	_ =	shalt  }
0x42: {  	_ =	shalt  }
0x43: {  	_ =	shalt  }
0x44: {  	_ =	shalt  }
0x45: {  	_ =	shalt  }
0x46: {  	_ =	shalt  }
0x47: {  	_ =	shalt  }
0x48: {  	_ =	shalt  }
0x49: {  	_ =	shalt  }
0x4a: {  	_ =	shalt  }
0x4b: {  	_ =	shalt  }
0x4c: {  	_ =	shalt  }
0x4d: {  	_ =	shalt  }
0x4e: {  	_ =	shalt  }
0x4f: {  	_ =	shalt  }
0x50: {  	_ =	shalt  }
0x51: {  	_ =	shalt  }
0x52: {  	_ =	shalt  }
0x53: {  	_ =	shalt  }
0x54: {  	_ =	shalt  }
0x55: {  	_ =	shalt  }
0x56: {  	_ =	shalt  }
0x57: {  	_ =	shalt  }
0x58: {  	_ =	shalt  }
0x59: {  	_ =	shalt  }
0x5a: {  	_ =	shalt  }
0x5b: {  	_ =	shalt  }
0x5c: {  	_ =	shalt  }
0x5d: {  	_ =	shalt  }
0x5e: {  	_ =	shalt  }
0x5f: {  	_ =	shalt  }
0x60: {  	_ =	shalt  }
0x61: {  	_ =	shalt  }
0x62: {  	_ =	shalt  }
0x63: {  	_ =	shalt  }
0x64: {  	_ =	shalt  }
0x65: {  	_ =	shalt  }
0x66: {  	_ =	shalt  }
0x67: {  	_ =	shalt  }
0x68: {  	_ =	shalt  }
0x69: {  	_ =	shalt  }
0x6a: {  	_ =	shalt  }
0x6b: {  	_ =	shalt  }
0x6c: {  	_ =	shalt  }
0x6d: {  	_ =	shalt  }
0x6e: {  	_ =	shalt  }
0x6f: {  	_ =	shalt  }
0x70: {  	_ =	shalt  }
0x71: {  	_ =	shalt  }
0x72: {  	_ =	shalt  }
0x73: {  	_ =	shalt  }
0x74: {  	_ =	shalt  }
0x75: {  	_ =	shalt  }
0x76: {  	_ =	shalt  }
0x77: {  	_ =	shalt  }
0x78: {  	_ =	shalt  }
0x79: {  	_ =	shalt  }
0x7a: {  	_ =	shalt  }
0x7b: {  	_ =	shalt  }
0x7c: {  	_ =	shalt  }
0x7d: {  	_ =	shalt  }
0x7e: {  	_ =	shalt  }
0x7f: {  	_ =	shalt  }
0x80: {  	_ =	shalt  }
0x81: {  	_ =	shalt  }
0x82: {  	_ =	shalt  }
0x83: {  	_ =	shalt  }
0x84: {  	_ =	shalt  }
0x85: {  	_ =	shalt  }
0x86: {  	_ =	shalt  }
0x87: {  	_ =	shalt  }
.Lfunc_end0:
.L_simem_size_0:
called_computation_lowered:
.L_overlay_start_0:
0x88: {  	s2 =	sld [smem:$0x3FD9]  }
0x89: {  	s3 =	sld [smem:$0x3FFE];
	_ =	sdelay $0x1  }
0x8a: {  	s1 =	srdreg.scid  }
0x8b: {  	s0 =	sand.u32 $0x1, s1  }
0x8c: {  	s17 =	sshll.u32 s0, $0xA;
	s2 =	sadd.s32 s3, s2  }
0x8d: {  	s2 =	sadd.s32 s2, s17  }
0x8e: {  	[smem:$0x3FC5] =	sst s2  }
0x8f: {  	_ = 	snop  }
0x90: {  	s2 =	sld [smem:$0x3FC9]  }
0x91: {  	s18 =	sld [smem:$0x3FC7]  }
0x92: {  	s4 =	sld [smem:$0x3FD0];
	(tm) =	ssettm $0x1  }
0x93: {  	s5 =	sld [smem:$0x3FFB];
	_ =	sdelay $0x3  }
0x94: {  	_ =	strace s5  }
0x95: {  	s5 =	sld [smem:$0x3FFC];
	_ =	sdelay $0x3  }
0x96: {  	_ =	strace s5  }
0x97: {  	s5 =	sld [smem:$0x3FFD];
	_ =	sdelay $0x3  }
0x98: {  	_ =	strace s5  }
0x99: {  	_ =	strace $0x8FFFFFFF  }
0x9a: {  	s19 =	sld [smem:$0x3FDB];
	_ =	sdelay $0x1  }
0x9b: {  	s6 =	simm.s32 $_scs_section_size  }
0x9c: {  	s7 =	simm.s32 $_size__tile_overlayer_lowered;
	s8 =	simm.s32 $_tile_overlayer_lowered  }
0x9d: {  	s22 =	simm.s32 $0x1BFF;
	s21 =	sshll.u32 s8, $0x1;
	s5 =	sadd.s32 s6, s19  }
0x9e: {  	s9 =	simm.s32 $0x0;
	s20 =	sshll.u32 s7, $0x1;
	s7 =	sadd.s32 s21, s5  }
0x9f: {  	[timem:s9], [sflag:s22] =	dma.local [hbm:s7], s20  }
0xa0: {  	_ =	swait.ge [sflag:s22], s20  }
0xa1: {  	s6 =	ssub.s32 $0x0, s20;
	[sflag:s22] =	ssyncset.done $0x0  }
0xa2: {  	[sflag:s22] =	ssyncadd.s32 s6;
	_ =	sdelay $0x1  }
0xa3: {  	s23 =	simm.s32 $0x1B8B  }
0xa4: {  	_ =	swait.ge [sflag:s23], $0x1  }
0xa5: {  	[sflag:s23] =	ssyncset.done $0x0  }
0xa6: {  	s25 =	simm.s32 $0x1B8E;
	s24 =	sld [smem:$0x3FFE];
	[sflag:s23] =	ssyncadd.s32 $0xFFFFFFFF  }
0xa7: {  	s26 =	simm.s32 $execute0_lowered;
	[smem:$0x3FD2] =	sst s25  }
0xa8: {  	s7 =	sshll.u32 s26, $0x1;
	_ =	strace $0x80000046;
	[dreg:$0x1] =	wrdreg $0xFFFFFFFF  }
0xa9: {  	s28 =	simm.s32 $_size_execute0_lowered;
	s5 =	sadd.s32 s5, s7;
	[dreg:$0x0] =	wrdreg $0x0  }
0xaa: {  	s7 =	sshll.u32 s28, $0x1;
	[dreg:$0x2] =	wrdreg s5  }
0xab: {  	[dreg:$0x3] =	wrdreg s7  }
0xac: {  	[dreg:$0x4] =	wrdreg $0xC0  }
0xad: {  	_ =	task [dreg:s9], $0x5FFFF  }
0xae: {  	[dreg:$0x1] =	wrdreg $0xFFFFFFFF  }
0xaf: {  	[dreg:$0x0] =	wrdreg $0x60  }
0xb0: {  	[dreg:$0x2] =	wrdreg s2  }
0xb1: {  	[dreg:$0x3] =	wrdreg s24  }
0xb2: {  	[dreg:$0x4] =	wrdreg s18  }
0xb3: {  	[dreg:$0x5] =	wrdreg s4  }
0xb4: {  	[dreg:$0x6] =	wrdreg $0x9  }
0xb5: {  	_ =	task.clear_ibuf [dreg:s9], $0x7FFFF;
	_ =	strace $0x90000046  }
0xb6: {  	s29 =	simm.s32 $0x9;
	_ =	strace $0x80000048  }
0xb7: {  	_ =	swait.ge [sflag:s29], $0x1  }
0xb8: {  	[sflag:s29] =	ssyncadd.s32 $0xFFFFFFFF  }
0xb9: {  	_ =	strace $0x90000048  }
0xba: {  	_ =	sfence  }
0xbb: {  	s30 =	sld [smem:$0x0];
	_ =	sdelay $0x2  }
0xbc: {  	s31 =	sshll.u32 s1, $0xD;
	s1 =	sshrl.u32 s1, $0x2  }
0xbd: {  	s3 =	sand.u32 $0x4000, s31;
	s1 =	sadd.s32 s1, s30  }
0xbe: {  	s0 =	sor.u32 s3, s0;
	s1 =	sshll.u32 s1, $0x11  }
0xbf: {  	s0 =	sor.u32 s1, s0  }
0xc0: {  	s0 =	sadd.s32 $0x8F2B, s0  }
0xc1: {  	[sflag:s0] =	ssyncadd.remote.s32 $0x1  }
0xc2: {  	_ =	sfence.sel $0xFFFF  }
0xc3: {  	[dreg:$0x0] =	wrdreg $0xFFFFFFFF;
	(pc) =	sbr.abs _section_cstart, $3  }
0xc4: {  	[dreg:$0x1] =	wrdreg $0xFFFFFFFF  }
0xc5: {  	_ =	task.clear_ibuf [dreg:s9], $0x2FFFF;
	_ =	strace $0x9FFFFFFF  }
0xc6: {  	(tm) =	ssettm $0x7FFFFFFF  }
0xc7: {  	_ =	shalt  }
tec
execute0_lowered:
.L_overlay_start_1:
0x0: {  	(tag) =	ssettag $0x1  }
0x1: {  	s1 =	rddreg [dreg:$0x0]  }
0x2: {  	s0 =	rddreg [dreg:$0x1]  }
0x3: {  	s2 =	srdreg.scid;
	s3 =	rddreg [dreg:$0x2]  }
0x4: {  	s4 =	stileid.u32;
	s7 =	rddreg [dreg:$0x3];
	s5 =	simm.s32 $0x0  }
0x5: {  	s22 =	simm.s32 $0xEA00;
	s23 =	simm.s32 $0xF200;
	s24 =	simm.s32 $0xFA00  }
0x6: {  	s28 =	simm.s32 $0x10200;
	s29 =	simm.s32 $0x2;
	s16 =	simm.s32 $0x14200  }
0x7: {  	s2 =	sand.u32 $0x1, s2;
	s4 =	sshll.u32 s4, $0xA;
	[smem:$0x7FF] =	sst s5  }
0x8: {  	s9 =	sadd.s32 $0x100, s3;
	s10 =	sadd.s32 $0x200, s3;
	s11 =	sadd.s32 $0x300, s3  }
0x9: {  	s12 =	sadd.s32 $0x400, s3;
	s13 =	sadd.s32 $0x500, s3;
	s14 =	sadd.s32 $0x600, s3  }
0xa: {  	s15 =	sadd.s32 $0x700, s3;
	s6 =	sshll.u32 s2, $0x9;
	s2 =	ssub.s32 $0x2, s2  }
0xb: {  	_ =	strace $0x80000047;
	s6 =	sor.u32 s6, s4;
	s25 =	sshrl.u32 s2, $0x1  }
0xc: {  	s4 =	sshrl.u32 s6, $0x3;
	s2 =	ssub.s32 s2, s25;
	s26 =	sshll.u32 s6, $0x8  }
.Ltmp0:
0xd: {  	s25 =	simm.s32 $0x1;
	s30 =	sadd.s32 s1, s26;
	(pc) =	sbr.rel .LBB2_1-.Ltmp0, $4  }
0xe: {  	s0 =	sadd.s32 s4, s0;
	s31 =	smax.u32 s2, $0x1;
	[dreg:$0x6] =	wrdreg s30  }
0xf: {  	v0 =	vlaneseq.u32;
	s17 =	sadd.s32 s7, s26;
	s0 =	sadd.s32 $0x400, s0;
	[dreg:$0x8] =	wrdreg s31  }
0x10: {  	v1 =	vshrl.u32 v0, $0x3;
	s26 =	simm.s32 $0x3;
	s4 =	sadd.s32 $0x800, s30;
	[dreg:$0x5] =	wrdreg s0  }
0x11: {  	vm0 =	vmmov $0xffff;
	v0 =	vand.u32 $0x7, v0;
	v1 =	vmul.u32 $0x8, v1;
	s7 =	simm.s32 $0x4;
	[dreg:$0x7] =	wrdreg s4;
	s4 =	simm.s32 $0x0  }
.LBB2_12:
0x12: {  	s0 =	simm.s32 $0x5  }
0x13: {  	_ =	swait.ge [sflag:s0], $0x4000  }
0x14: {  	[sflag:s0] =	ssyncset.done $0x0  }
0x15: {  	s2 =	simm.s32 $0x6;
	[sflag:s0] =	ssyncadd.s32 $0xFFFFC000  }
0x16: {  	_ =	swait.ge [sflag:s2], $0x4000  }
0x17: {  	s4 =	rddreg [dreg:$0x9]  }
0x18: {  	s31 =	rddreg [dreg:$0x8];
	s4 =	sadd.s32 $0x1, s4  }
0x19: {  	p0 =	sne.s32 s4, s31  }
.Ltmp1:
0x1a: {  	_ = 	snop;
	(pc) =	sbr.rel @!p0 .LBB2_13-.Ltmp1, $3  }
0x1b: {  	_ =	sdelay $0x1  }
0x1c: {  	[sflag:s2] =	ssyncset.done $0x0  }
0x1d: {  	[sflag:s2] =	ssyncadd.s32 $0xFFFFC000  }
.LBB2_1:
0x1e: {  	[dreg:$0x9] =	wrdreg s4  }
0x1f: {  	s0 =	rddreg [dreg:$0x5];
	s4 =	simm.s32 $0x7  }
0x20: {  	[tilespmem:s5], [sflag:$0x7] =	stream.linear.gather [hbm4b:s0+s5], $0x200, $0x38;
	[tilespmem:$0x18200] =	vst v63  }
0x21: {  	_ =	swait.ge [sflag:s4], $0x200  }
0x22: {  	[sflag:s4] =	ssyncset.done $0x0  }
0x23: {  	s2 =	simm.s32 $0x200;
	s8 =	rddreg [dreg:$0x6];
	[sflag:s4] =	ssyncadd.s32 $0xFFFFFE00  }
0x24: {  	[tilespmem:s2], [sflag:$0x1] =	stream.linear.gather [hbm4b:s8+s5], $0x4000, $0x38;
	[tilespmem:$0x18200] =	vst v63  }
0x25: {  	v2 =	vld.msk [tilespmem:$0x0], $0xff;
	_ =	sdelay $0x4  }
0x26: {  	v3 =	vshll.u32 v2, $0x4  }
0x27: {  	v2 =	vand.u32 $0x7, v2;
	v3 =	vand.u32 $0xFFFFFF80, v3  }
0x28: {  	v2 =	vor.u32 v2, v3  }
0x29: {  	v2 =	vperm.xlane v2, v0;
	_ =	sdelay $0x1  }
0x2a: {  	v2 =	vadd.s32 v1, v2;
	_ =	sdelay $0x3  }
0x2b: {  	s18 =	simm.s32 $0x8200  }
0x2c: {  	[tilespmem:s18], [sflag:$0x3] =	stream.indirect_vreg.gather [hbm4b:s3+s5], $0x80, v2, vm0, $0xb8;
	[tilespmem:$0x18200] =	vst v63  }
0x2d: {  	s19 =	simm.s32 $0x8A00  }
0x2e: {  	[tilespmem:s19], [sflag:$0x3] =	stream.indirect_vreg.gather [hbm4b:s9+s5], $0x80, v2, vm0, $0xb8;
	[tilespmem:$0x18200] =	vst v63  }
0x2f: {  	s20 =	simm.s32 $0x9200  }
0x30: {  	[tilespmem:s20], [sflag:$0x3] =	stream.indirect_vreg.gather [hbm4b:s10+s5], $0x80, v2, vm0, $0xb8;
	[tilespmem:$0x18200] =	vst v63  }
0x31: {  	s21 =	simm.s32 $0x9A00  }
0x32: {  	[tilespmem:s21], [sflag:$0x3] =	stream.indirect_vreg.gather [hbm4b:s11+s5], $0x80, v2, vm0, $0xb8;
	[tilespmem:$0x18200] =	vst v63  }
0x33: {  	s30 =	simm.s32 $0xA200  }
0x34: {  	[tilespmem:s30], [sflag:$0x3] =	stream.indirect_vreg.gather [hbm4b:s12+s5], $0x80, v2, vm0, $0xb8;
	[tilespmem:$0x18200] =	vst v63  }
0x35: {  	s31 =	simm.s32 $0xAA00  }
0x36: {  	[tilespmem:s31], [sflag:$0x3] =	stream.indirect_vreg.gather [hbm4b:s13+s5], $0x80, v2, vm0, $0xb8;
	[tilespmem:$0x18200] =	vst v63  }
0x37: {  	s2 =	simm.s32 $0xB200  }
0x38: {  	[tilespmem:s2], [sflag:$0x3] =	stream.indirect_vreg.gather [hbm4b:s14+s5], $0x80, v2, vm0, $0xb8;
	[tilespmem:$0x18200] =	vst v63  }
0x39: {  	s4 =	simm.s32 $0xBA00  }
0x3a: {  	[tilespmem:s4], [sflag:$0x3] =	stream.indirect_vreg.gather [hbm4b:s15+s5], $0x80, v2, vm0, $0xb8;
	[tilespmem:$0x18200] =	vst v63  }
0x3b: {  	s8 =	rddreg [dreg:$0x7];
	s18 =	simm.s32 $0x4200  }
0x3c: {  	[tilespmem:s18], [sflag:$0x2] =	stream.linear.gather [hbm4b:s8+s5], $0x4000, $0x38;
	[tilespmem:$0x18200] =	vst v63  }
0x3d: {  	v2 =	vld.msk [tilespmem:$0x8], $0xff;
	_ =	sdelay $0x4  }
0x3e: {  	v3 =	vshll.u32 v2, $0x4  }
0x3f: {  	v2 =	vand.u32 $0x7, v2;
	v3 =	vand.u32 $0xFFFFFF80, v3  }
0x40: {  	v2 =	vor.u32 v2, v3  }
0x41: {  	v2 =	vperm.xlane v2, v0;
	_ =	sdelay $0x1  }
0x42: {  	v2 =	vadd.s32 v1, v2;
	_ =	sdelay $0x3  }
0x43: {  	s19 =	simm.s32 $0xC200  }
0x44: {  	[tilespmem:s19], [sflag:$0x4] =	stream.indirect_vreg.gather [hbm4b:s3+s5], $0x80, v2, vm0, $0xb8;
	[tilespmem:$0x18200] =	vst v63  }
0x45: {  	s20 =	simm.s32 $0xCA00  }
0x46: {  	[tilespmem:s20], [sflag:$0x4] =	stream.indirect_vreg.gather [hbm4b:s9+s5], $0x80, v2, vm0, $0xb8;
	[tilespmem:$0x18200] =	vst v63  }
0x47: {  	s21 =	simm.s32 $0xD200  }
0x48: {  	[tilespmem:s21], [sflag:$0x4] =	stream.indirect_vreg.gather [hbm4b:s10+s5], $0x80, v2, vm0, $0xb8;
	[tilespmem:$0x18200] =	vst v63  }
0x49: {  	s30 =	simm.s32 $0xDA00  }
0x4a: {  	[tilespmem:s30], [sflag:$0x4] =	stream.indirect_vreg.gather [hbm4b:s11+s5], $0x80, v2, vm0, $0xb8;
	[tilespmem:$0x18200] =	vst v63  }
0x4b: {  	s31 =	simm.s32 $0xE200  }
0x4c: {  	[tilespmem:s31], [sflag:$0x4] =	stream.indirect_vreg.gather [hbm4b:s12+s5], $0x80, v2, vm0, $0xb8;
	[tilespmem:$0x18200] =	vst v63  }
0x4d: {  	_ = 	snop  }
0x4e: {  	[tilespmem:s22], [sflag:$0x4] =	stream.indirect_vreg.gather [hbm4b:s13+s5], $0x80, v2, vm0, $0xb8;
	[tilespmem:$0x18200] =	vst v63  }
0x4f: {  	_ = 	snop  }
0x50: {  	[tilespmem:s23], [sflag:$0x4] =	stream.indirect_vreg.gather [hbm4b:s14+s5], $0x80, v2, vm0, $0xb8;
	[tilespmem:$0x18200] =	vst v63  }
0x51: {  	s18 =	simm.s32 $0x0  }
0x52: {  	[tilespmem:s24], [sflag:$0x4] =	stream.indirect_vreg.gather [hbm4b:s15+s5], $0x80, v2, vm0, $0xb8;
	[tilespmem:$0x18200] =	vst v63  }
.LBB2_2:
0x53: {  	_ =	swait.ge [sflag:s25], $0x4000  }
0x54: {  	[sflag:s25] =	ssyncset.done $0x0  }
0x55: {  	[sflag:s25] =	ssyncadd.s32 $0xFFFFC000  }
0x56: {  	_ =	swait.ge [sflag:s26], $0x4000  }
0x57: {  	p0 =	seq.s32 s18, $0x0;
	[sflag:s26] =	ssyncset.done $0x0  }
0x58: {  	s0 =	simm.s32 @!p0 $0x5;
	[sflag:s26] =	ssyncadd.s32 $0xFFFFC000  }
0x59: {  	s8 =	sshll.u32 s18, $0x4;
	_ =	swait.ge @!p0 [sflag:s0], $0x4000  }
0x5a: {  	s19 =	simm.s32 $0x0;
	s4 =	simm.s32 $0x240;
	[sflag:s0] =	ssyncset.done @!p0 $0x0  }
0x5b: {  	s21 =	simm.s32 $0x8240;
	s2 =	simm.s32 $0x10240;
	[sflag:s0] =	ssyncadd.s32 @!p0 $0xFFFFC000  }
.LBB2_3:
0x5c: {  	v3 =	vld [tilespmem:s4+$0x30]  }
0x5d: {  	v4 =	vld [tilespmem:s21+$0x30]  }
0x5e: {  	v2 =	vld [tilespmem:s21+$0xFFFFFFC0]  }
0x5f: {  	v5 =	vld [tilespmem:s4+$0xFFFFFFD0]  }
0x60: {  	v6 =	vld [tilespmem:s21+$0xFFFFFFD0]  }
0x61: {  	v7 =	vld [tilespmem:s4+$0xFFFFFFE0]  }
0x62: {  	v8 =	vld [tilespmem:s21+$0xFFFFFFE0]  }
0x63: {  	v9 =	vld [tilespmem:s4+$0xFFFFFFF0]  }
0x64: {  	v10 =	vld [tilespmem:s21+$0xFFFFFFF0]  }
0x65: {  	v11 =	vld [tilespmem:s4+$0x0]  }
0x66: {  	v12 =	vld [tilespmem:s21+$0x0];
	v4 =	vadd.f32 v4, v3  }
0x67: {  	v6 =	vadd.f32 v6, v5;
	v3 =	vld [tilespmem:s4+$0x10]  }
0x68: {  	v7 =	vadd.f32 v8, v7;
	v5 =	vld [tilespmem:s21+$0x10];
	[tilespmem:s2+$0x30] =	vst v4  }
0x69: {  	v8 =	vadd.f32 v10, v9;
	[tilespmem:s2+$0xFFFFFFD0] =	vst v6;
	v4 =	vld [tilespmem:s4+$0x20]  }
0x6a: {  	s0 =	simm.s32 $0x0;
	[tilespmem:s2+$0xFFFFFFE0] =	vst v7;
	v7 =	vld [tilespmem:s21+$0x20]  }
0x6b: {  	s20 =	sadd.s32 $0x400, s4;
	s30 =	smov.u32 s21;
	s31 =	smov.u32 s2;
	v6 =	vld [tilespmem:s4+$0xFFFFFFC0];
	[tilespmem:s2+$0xFFFFFFF0] =	vst v8;
	v8 =	vadd.f32 v12, v11  }
.LBB2_4:
0x6c: {  	v9 =	vld [tilespmem:s20+$0x30];
	s30 =	sadd.s32 $0x400, s30  }
0x6d: {  	s0 =	sadd.s32 $0x8, s0;
	v10 =	vld [tilespmem:s30+$0x30];
	[tilespmem:s31+$0x0] =	vst v8;
	v3 =	vadd.f32 v5, v3  }
0x6e: {  	p1 =	slt.u32 s0, $0x78;
	v5 =	vld [tilespmem:s30+$0xFFFFFFC0]  }
0x6f: {  	v8 =	vld [tilespmem:s20+$0xFFFFFFD0];
	[tilespmem:s31+$0x10] =	vst v3;
	v3 =	vadd.f32 v7, v4  }
0x70: {  	v4 =	vld [tilespmem:s30+$0xFFFFFFD0];
	v11 =	vadd.f32 v2, v6  }
0x71: {  	v6 =	vld [tilespmem:s20+$0xFFFFFFE0];
	[tilespmem:s31+$0x20] =	vst v3  }
0x72: {  	v3 =	vld [tilespmem:s30+$0xFFFFFFE0];
	v7 =	vadd.f32 v10, v9;
	[tilespmem:s31+$0xFFFFFFC0] =	vst v11  }
0x73: {  	s31 =	sadd.s32 $0x400, s31;
	v9 =	vld [tilespmem:s20+$0xFFFFFFF0];
	v2 =	vmov v5  }
0x74: {  	v10 =	vld [tilespmem:s30+$0xFFFFFFF0];
	[tilespmem:s31+$0x30] =	vst v7  }
0x75: {  	v4 =	vadd.f32 v4, v8;
	v8 =	vld [tilespmem:s20+$0x0]  }
0x76: {  	v11 =	vld [tilespmem:s30+$0x0]  }
.Ltmp2:
0x77: {  	[tilespmem:s31+$0xFFFFFFD0] =	vst v4;
	v4 =	vadd.f32 v3, v6;
	v3 =	vld [tilespmem:s20+$0x10];
	(pc) =	sbr.rel @p1 .LBB2_4-.Ltmp2, $4  }
0x78: {  	v5 =	vld [tilespmem:s30+$0x10]  }
0x79: {  	[tilespmem:s31+$0xFFFFFFE0] =	vst v4;
	v9 =	vadd.f32 v10, v9;
	v4 =	vld [tilespmem:s20+$0x20]  }
0x7a: {  	v7 =	vld [tilespmem:s30+$0x20]  }
0x7b: {  	v6 =	vld [tilespmem:s20+$0xFFFFFFC0];
	[tilespmem:s31+$0xFFFFFFF0] =	vst v9;
	v8 =	vadd.f32 v11, v8;
	s20 =	sadd.s32 $0x400, s20  }
0x7c: {  	s19 =	sadd.s32 $0x1, s19  }
0x7d: {  	p1 =	sne.s32 s19, $0x8  }
.Ltmp3:
0x7e: {  	v3 =	vadd.f32 v5, v3;
	(pc) =	sbr.rel @p1 .LBB2_3-.Ltmp3, $4  }
0x7f: {  	[tilespmem:s31+$0x0] =	vst v8;
	v4 =	vadd.f32 v7, v4  }
0x80: {  	[tilespmem:s31+$0x10] =	vst v3;
	v2 =	vadd.f32 v2, v6  }
0x81: {  	[tilespmem:s31+$0x20] =	vst v4  }
0x82: {  	s4 =	sadd.s32 $0x80, s4;
	s21 =	sadd.s32 $0x80, s21;
	s2 =	sadd.s32 $0x80, s2;
	[tilespmem:s31+$0xFFFFFFC0] =	vst v2  }
0x83: {  	s0 =	sshll.u32 s18, $0xC  }
0x84: {  	p1 =	seq.s32 s18, $0x1F;
	s0 =	sadd.s32 s0, s17  }
0x85: {  	[hbm4b:s0+s5] =	stream.linear.scatter [tilespmem:s28], [sflag:$0x5], $0x4000, $0x38;
	[tilespmem:$0x18200] =	vst v63  }
0x86: {  	s0 =	sadd.s32 @!p1 $0x10, s8  }
0x87: {  	s0 =	sadd.s32 @!p1 s6, s0  }
0x88: {  	s0 =	sshll.u32 @!p1 s0, $0x8  }
0x89: {  	s2 =	simm.s32 @!p1 $0x0;
	s4 =	simm.s32 @!p1 $0x200;
	s0 =	sadd.s32 @!p1 s1, s0  }
0x8a: {  	[tilespmem:s4], [sflag:$0x1] =	stream.linear.gather @!p1 [hbm4b:s0+s2], $0x4000, $0x38;
	[tilespmem:$0x18200] =	vst v63  }
0x8b: {  	v2 =	vld.msk @!p1 [tilespmem:s8+$0x10], $0xff;
	_ =	sdelay $0x4  }
0x8c: {  	v3 =	vshll.u32 @!p1 v2, $0x4  }
0x8d: {  	v4 =	vlaneseq.u32 @!p1;
	v2 =	vand.u32 @!p1 $0x7, v2;
	v3 =	vand.u32 @!p1 $0xFFFFFF80, v3  }
0x8e: {  	v2 =	vor.u32 @!p1 v2, v3;
	v3 =	vand.u32 @!p1 $0x7, v4;
	v4 =	vshrl.u32 @!p1 v4, $0x3  }
0x8f: {  	v2 =	vperm.xlane @!p1 v2, v3;
	v3 =	vmul.u32 @!p1 $0x8, v4;
	_ =	sdelay $0x1  }
0x90: {  	v2 =	vadd.s32 @!p1 v3, v2;
	_ =	sdelay $0x3  }
0x91: {  	vm1 =	vmmov @!p1 $0xffff;
	s0 =	simm.s32 @!p1 $0x8200  }
0x92: {  	[tilespmem:s0], [sflag:$0x3] =	stream.indirect_vreg.gather @!p1 [hbm4b:s3+s2], $0x80, v2, vm1, $0xb8;
	[tilespmem:$0x18200] =	vst v63  }
0x93: {  	s0 =	simm.s32 @!p1 $0x8A00  }
0x94: {  	[tilespmem:s0], [sflag:$0x3] =	stream.indirect_vreg.gather @!p1 [hbm4b:s9+s2], $0x80, v2, vm1, $0xb8;
	[tilespmem:$0x18200] =	vst v63  }
0x95: {  	s0 =	simm.s32 @!p1 $0x9200  }
0x96: {  	[tilespmem:s0], [sflag:$0x3] =	stream.indirect_vreg.gather @!p1 [hbm4b:s10+s2], $0x80, v2, vm1, $0xb8;
	[tilespmem:$0x18200] =	vst v63  }
0x97: {  	s0 =	simm.s32 @!p1 $0x9A00  }
0x98: {  	[tilespmem:s0], [sflag:$0x3] =	stream.indirect_vreg.gather @!p1 [hbm4b:s11+s2], $0x80, v2, vm1, $0xb8;
	[tilespmem:$0x18200] =	vst v63  }
0x99: {  	s0 =	simm.s32 @!p1 $0xA200  }
0x9a: {  	[tilespmem:s0], [sflag:$0x3] =	stream.indirect_vreg.gather @!p1 [hbm4b:s12+s2], $0x80, v2, vm1, $0xb8;
	[tilespmem:$0x18200] =	vst v63  }
0x9b: {  	s0 =	simm.s32 @!p1 $0xAA00  }
0x9c: {  	[tilespmem:s0], [sflag:$0x3] =	stream.indirect_vreg.gather @!p1 [hbm4b:s13+s2], $0x80, v2, vm1, $0xb8;
	[tilespmem:$0x18200] =	vst v63  }
0x9d: {  	s0 =	simm.s32 @!p1 $0xB200  }
0x9e: {  	[tilespmem:s0], [sflag:$0x3] =	stream.indirect_vreg.gather @!p1 [hbm4b:s14+s2], $0x80, v2, vm1, $0xb8;
	[tilespmem:$0x18200] =	vst v63  }
0x9f: {  	s0 =	simm.s32 @!p1 $0xBA00  }
0xa0: {  	[tilespmem:s0], [sflag:$0x3] =	stream.indirect_vreg.gather @!p1 [hbm4b:s15+s2], $0x80, v2, vm1, $0xb8;
	[tilespmem:$0x18200] =	vst v63  }
0xa1: {  	_ =	swait.ge [sflag:s29], $0x4000  }
0xa2: {  	[sflag:s29] =	ssyncset.done $0x0  }
0xa3: {  	[sflag:s29] =	ssyncadd.s32 $0xFFFFC000  }
0xa4: {  	_ =	swait.ge [sflag:s7], $0x4000  }
0xa5: {  	[sflag:s7] =	ssyncset.done $0x0  }
0xa6: {  	s0 =	simm.s32 @!p0 $0x6;
	[sflag:s7] =	ssyncadd.s32 $0xFFFFC000  }
0xa7: {  	_ =	swait.ge @!p0 [sflag:s0], $0x4000  }
0xa8: {  	s19 =	simm.s32 $0x0;
	s30 =	simm.s32 $0xC240;
	[sflag:s0] =	ssyncset.done @!p0 $0x0  }
0xa9: {  	s31 =	simm.s32 $0x14240;
	s4 =	simm.s32 $0x4240;
	[sflag:s0] =	ssyncadd.s32 @!p0 $0xFFFFC000  }
.LBB2_7:
0xaa: {  	v3 =	vld [tilespmem:s4+$0x30]  }
0xab: {  	v4 =	vld [tilespmem:s30+$0x30]  }
0xac: {  	v2 =	vld [tilespmem:s30+$0xFFFFFFC0]  }
0xad: {  	v5 =	vld [tilespmem:s4+$0xFFFFFFD0]  }
0xae: {  	v6 =	vld [tilespmem:s30+$0xFFFFFFD0]  }
0xaf: {  	v7 =	vld [tilespmem:s4+$0xFFFFFFE0]  }
0xb0: {  	v8 =	vld [tilespmem:s30+$0xFFFFFFE0]  }
0xb1: {  	v9 =	vld [tilespmem:s4+$0xFFFFFFF0]  }
0xb2: {  	v10 =	vld [tilespmem:s30+$0xFFFFFFF0]  }
0xb3: {  	v11 =	vld [tilespmem:s4+$0x0]  }
0xb4: {  	v12 =	vld [tilespmem:s30+$0x0];
	v4 =	vadd.f32 v4, v3  }
0xb5: {  	v6 =	vadd.f32 v6, v5;
	v3 =	vld [tilespmem:s4+$0x10]  }
0xb6: {  	v7 =	vadd.f32 v8, v7;
	v5 =	vld [tilespmem:s30+$0x10];
	[tilespmem:s31+$0x30] =	vst v4  }
0xb7: {  	v8 =	vadd.f32 v10, v9;
	[tilespmem:s31+$0xFFFFFFD0] =	vst v6;
	v4 =	vld [tilespmem:s4+$0x20]  }
0xb8: {  	s0 =	simm.s32 $0x0;
	[tilespmem:s31+$0xFFFFFFE0] =	vst v7;
	v7 =	vld [tilespmem:s30+$0x20]  }
0xb9: {  	s20 =	sadd.s32 $0x400, s4;
	s21 =	smov.u32 s30;
	s2 =	smov.u32 s31;
	v6 =	vld [tilespmem:s4+$0xFFFFFFC0];
	[tilespmem:s31+$0xFFFFFFF0] =	vst v8;
	v8 =	vadd.f32 v12, v11  }
.LBB2_8:
0xba: {  	v9 =	vld [tilespmem:s20+$0x30];
	s21 =	sadd.s32 $0x400, s21  }
0xbb: {  	s0 =	sadd.s32 $0x8, s0;
	v10 =	vld [tilespmem:s21+$0x30];
	[tilespmem:s2+$0x0] =	vst v8;
	v3 =	vadd.f32 v5, v3  }
0xbc: {  	p0 =	slt.u32 s0, $0x78;
	v5 =	vld [tilespmem:s21+$0xFFFFFFC0]  }
0xbd: {  	v8 =	vld [tilespmem:s20+$0xFFFFFFD0];
	[tilespmem:s2+$0x10] =	vst v3;
	v3 =	vadd.f32 v7, v4  }
0xbe: {  	v4 =	vld [tilespmem:s21+$0xFFFFFFD0];
	v11 =	vadd.f32 v2, v6  }
0xbf: {  	v6 =	vld [tilespmem:s20+$0xFFFFFFE0];
	[tilespmem:s2+$0x20] =	vst v3  }
0xc0: {  	v3 =	vld [tilespmem:s21+$0xFFFFFFE0];
	v7 =	vadd.f32 v10, v9;
	[tilespmem:s2+$0xFFFFFFC0] =	vst v11  }
0xc1: {  	s2 =	sadd.s32 $0x400, s2;
	v9 =	vld [tilespmem:s20+$0xFFFFFFF0];
	v2 =	vmov v5  }
0xc2: {  	v10 =	vld [tilespmem:s21+$0xFFFFFFF0];
	[tilespmem:s2+$0x30] =	vst v7  }
0xc3: {  	v4 =	vadd.f32 v4, v8;
	v8 =	vld [tilespmem:s20+$0x0]  }
0xc4: {  	v11 =	vld [tilespmem:s21+$0x0]  }
.Ltmp4:
0xc5: {  	[tilespmem:s2+$0xFFFFFFD0] =	vst v4;
	v4 =	vadd.f32 v3, v6;
	v3 =	vld [tilespmem:s20+$0x10];
	(pc) =	sbr.rel @p0 .LBB2_8-.Ltmp4, $4  }
0xc6: {  	v5 =	vld [tilespmem:s21+$0x10]  }
0xc7: {  	[tilespmem:s2+$0xFFFFFFE0] =	vst v4;
	v9 =	vadd.f32 v10, v9;
	v4 =	vld [tilespmem:s20+$0x20]  }
0xc8: {  	v7 =	vld [tilespmem:s21+$0x20]  }
0xc9: {  	v6 =	vld [tilespmem:s20+$0xFFFFFFC0];
	[tilespmem:s2+$0xFFFFFFF0] =	vst v9;
	v8 =	vadd.f32 v11, v8;
	s20 =	sadd.s32 $0x400, s20  }
0xca: {  	s19 =	sadd.s32 $0x1, s19  }
0xcb: {  	p0 =	sne.s32 s19, $0x8  }
.Ltmp5:
0xcc: {  	v3 =	vadd.f32 v5, v3;
	(pc) =	sbr.rel @p0 .LBB2_7-.Ltmp5, $4  }
0xcd: {  	[tilespmem:s2+$0x0] =	vst v8;
	v4 =	vadd.f32 v7, v4  }
0xce: {  	[tilespmem:s2+$0x10] =	vst v3;
	v2 =	vadd.f32 v2, v6  }
0xcf: {  	[tilespmem:s2+$0x20] =	vst v4  }
0xd0: {  	s4 =	sadd.s32 $0x80, s4;
	s30 =	sadd.s32 $0x80, s30;
	s31 =	sadd.s32 $0x80, s31;
	[tilespmem:s2+$0xFFFFFFC0] =	vst v2  }
.Ltmp6:
0xd1: {  	s0 =	sadd.s32 s8, s6;
	(pc) =	sbr.rel @p1 .LBB2_12-.Ltmp6, $4  }
0xd2: {  	s2 =	rddreg [dreg:$0x3];
	s0 =	sshll.u32 s0, $0x8  }
0xd3: {  	s0 =	sadd.s32 s2, s0  }
0xd4: {  	s0 =	sadd.s32 $0x800, s0  }
0xd5: {  	[hbm4b:s0+s5] =	stream.linear.scatter [tilespmem:s16], [sflag:$0x6], $0x4000, $0x38;
	[tilespmem:$0x18200] =	vst v63  }
0xd6: {  	s0 =	sadd.s32 $0x18, s8  }
0xd7: {  	s0 =	sadd.s32 s6, s0  }
0xd8: {  	s0 =	sshll.u32 s0, $0x8  }
0xd9: {  	s2 =	simm.s32 $0x4200;
	s0 =	sadd.s32 s1, s0  }
0xda: {  	[tilespmem:s2], [sflag:$0x2] =	stream.linear.gather [hbm4b:s0+s5], $0x4000, $0x38;
	[tilespmem:$0x18200] =	vst v63  }
0xdb: {  	v2 =	vld.msk [tilespmem:s8+$0x18], $0xff;
	_ =	sdelay $0x4  }
0xdc: {  	v3 =	vshll.u32 v2, $0x4  }
0xdd: {  	v2 =	vand.u32 $0x7, v2;
	v3 =	vand.u32 $0xFFFFFF80, v3  }
0xde: {  	v2 =	vor.u32 v2, v3  }
0xdf: {  	v2 =	vperm.xlane v2, v0;
	_ =	sdelay $0x1  }
0xe0: {  	v2 =	vadd.s32 v1, v2;
	_ =	sdelay $0x3  }
0xe1: {  	s19 =	simm.s32 $0xC200  }
0xe2: {  	[tilespmem:s19], [sflag:$0x4] =	stream.indirect_vreg.gather [hbm4b:s3+s5], $0x80, v2, vm0, $0xb8;
	[tilespmem:$0x18200] =	vst v63  }
0xe3: {  	s20 =	simm.s32 $0xCA00  }
0xe4: {  	[tilespmem:s20], [sflag:$0x4] =	stream.indirect_vreg.gather [hbm4b:s9+s5], $0x80, v2, vm0, $0xb8;
	[tilespmem:$0x18200] =	vst v63  }
0xe5: {  	s21 =	simm.s32 $0xD200  }
0xe6: {  	[tilespmem:s21], [sflag:$0x4] =	stream.indirect_vreg.gather [hbm4b:s10+s5], $0x80, v2, vm0, $0xb8;
	[tilespmem:$0x18200] =	vst v63  }
0xe7: {  	s30 =	simm.s32 $0xDA00  }
0xe8: {  	[tilespmem:s30], [sflag:$0x4] =	stream.indirect_vreg.gather [hbm4b:s11+s5], $0x80, v2, vm0, $0xb8;
	[tilespmem:$0x18200] =	vst v63  }
0xe9: {  	s31 =	simm.s32 $0xE200  }
0xea: {  	[tilespmem:s31], [sflag:$0x4] =	stream.indirect_vreg.gather [hbm4b:s12+s5], $0x80, v2, vm0, $0xb8;
	[tilespmem:$0x18200] =	vst v63  }
0xeb: {  	_ = 	snop  }
0xec: {  	[tilespmem:s22], [sflag:$0x4] =	stream.indirect_vreg.gather [hbm4b:s13+s5], $0x80, v2, vm0, $0xb8;
	[tilespmem:$0x18200] =	vst v63  }
.Ltmp7:
0xed: {  	_ = 	snop;
	(pc) =	sbr.rel .LBB2_2-.Ltmp7, $4  }
0xee: {  	_ = 	snop  }
0xef: {  	[tilespmem:s23], [sflag:$0x4] =	stream.indirect_vreg.gather [hbm4b:s14+s5], $0x80, v2, vm0, $0xb8;
	[tilespmem:$0x18200] =	vst v63  }
0xf0: {  	s18 =	sadd.s32 $0x1, s18  }
0xf1: {  	[tilespmem:s24], [sflag:$0x4] =	stream.indirect_vreg.gather [hbm4b:s15+s5], $0x80, v2, vm0, $0xb8;
	[tilespmem:$0x18200] =	vst v63  }
.LBB2_13:
0xf2: {  	_ =	sfence.sel $0x180000  }
0xf3: {  	[bflag:$0x0] =	sbarrier.arrive $0xFFFF  }
0xf4: {  	_ =	strace $0x90000047  }
0xf5: {  	s0 =	stileid.u32;
	[bflag:$0x2] =	sbarrier.arrive $0xFFFF  }
0xf6: {  	p0 =	sne.s32 s0, $0x0;
	s0 =	rddreg [dreg:$0x4]  }
0xf7: {  	s0 =	sadd.s32 @!p0 $0x100000, s0  }
0xf8: {  	[sflag:s0] =	ssyncadd.tile.s32 @!p0 $0x1;
	_ =	shalt  }
.Lfunc_end2:
_tile_overlayer_lowered:
.L_overlay_start_2:
0xf9: {  	(tag) =	ssettag $0x2  }
0xfa: {  	s0 =	rddreg [dreg:$0x0];
	s2 =	stileid.u32  }
0xfb: {  	s1 =	rddreg [dreg:$0x1];
	p0 =	sne.s32 s2, $0x0  }
0xfc: {  	s3 =	rddreg [dreg:$0x2];
	[bflag:$0x3] =	sbarrier.arrive $0xFFFF;
	s2 =	simm.s32 @!p0 $0x1C07  }
0xfd: {  	[timem:s3], [sflag:s2] =	dma.local @!p0 [hbm:s0], s1  }
0xfe: {  	s0 =	simm.s32 @!p0 $0x7  }
0xff: {  	_ =	swait.ge @!p0 [sflag:s0], s1  }
0x100: {  	s1 =	ssub.s32 @!p0 $0x0, s1;
	[sflag:s0] =	ssyncset.done @!p0 $0x0  }
0x101: {  	[sflag:s0] =	ssyncadd.s32 @!p0 s1  }
0x102: {  	[bflag:$0x3] =	sbarrier.arrive $0xFFFF  }
0x103: {  	_ =	shalt  }

</sc_bundles>
